<compile_context>
chip_gen: v7x
topology: tpu7x:2x2x1
jax: 0.10.2.dev20260603
libtpu: 0.0.44.dev20260713+nightly
codegen_flags: <defaults>
</compile_context>

<pallas_src>
import functools

import jax
import jax.numpy as jnp
from jax import lax
from jax.experimental import pallas as pl
from jax.experimental.pallas import tpu as pltpu
from jax.experimental.pallas import tpu_sc as plsc

N_ITEMS = 1000
N_PERSONS = 100000
BATCH = 16384
_NC = 2
_NS = 16
_NW = _NC * _NS
_BPW = BATCH // _NW
_HALF_LOG_2PI = 0.9189385332046727
_N_PARAMS = N_ITEMS + 4 * N_ITEMS + N_PERSONS


def _sp(x):
    return jnp.maximum(x, 0.0) + jnp.log(1.0 + jnp.exp(-jnp.abs(x)))


def _sig(x):
    return 1.0 / (1.0 + jnp.exp(-x))


def _table_body(raw_ref, out_ref):
    raw = raw_ref[...]
    a = _sp(raw[0:8])
    b0 = raw[8:16]
    b1 = b0 + _sp(raw[16:24])
    b2 = b1 + _sp(raw[24:32])
    b3 = b2 + _sp(raw[32:40])
    out_ref[pl.ds(0, 8), :] = a
    out_ref[pl.ds(8, 8), :] = b0
    out_ref[pl.ds(16, 8), :] = b1
    out_ref[pl.ds(24, 8), :] = b2
    out_ref[pl.ds(32, 8), :] = b3


def _sc_gather(table, t, item1, person1, resp1):
    mesh = plsc.VectorSubcoreMesh(core_axis_name="c", subcore_axis_name="s")
    out_types = [jax.ShapeDtypeStruct((BATCH,), jnp.float32)
                 for _ in range(4)]
    scratch = (
        [pltpu.VMEM((40, 128), jnp.float32)]
        + [pltpu.VMEM((_BPW,), jnp.int32) for _ in range(3)]
        + [pltpu.VMEM((_BPW,), jnp.float32) for _ in range(4)]
        + [pltpu.SemaphoreType.DMA]
    )

    @functools.partial(
        pl.kernel, mesh=mesh, out_type=out_types, scratch_types=scratch,
        compiler_params=pltpu.CompilerParams(
            use_tc_tiling_on_sc=False, needs_layout_passes=False))
    def k(table_h, t_h, item_h, person_h, resp_h,
          oa, obu, obl, ot,
          pk, ii, ip, ir, ba, bu, bl, bt, sem):
        wid = lax.axis_index("s") * _NC + lax.axis_index("c")
        base = wid * _BPW
        pltpu.sync_copy(item_h.at[pl.ds(base, _BPW)], ii)
        pltpu.sync_copy(person_h.at[pl.ds(base, _BPW)], ip)
        pltpu.sync_copy(resp_h.at[pl.ds(base, _BPW)], ir)
        copies = [
            pltpu.async_copy(t_h.at[ip.at[pl.ds(j * 128, 128)]],
                             bt.at[pl.ds(j * 128, 128)], sem)
            for j in range(_BPW // 128)
        ]
        pltpu.sync_copy(table_h, pk)

        def body(i, _):
            sl = pl.ds(i * 16, 16)
            it = ii[sl]
            r = ir[sl]
            ihi = lax.shift_right_logical(it, 7)
            ilo = lax.bitwise_and(it, 127)
            u = jnp.maximum(r - 2, 0)
            l = jnp.minimum(r - 1, 3)
            ba[sl] = plsc.load_gather(pk, [ihi, ilo])
            bu[sl] = plsc.load_gather(
                pk, [lax.shift_left(u + 1, 3) + ihi, ilo])
            bl[sl] = plsc.load_gather(
                pk, [lax.shift_left(l + 1, 3) + ihi, ilo])
            return 0

        lax.fori_loop(0, _BPW // 16, body, 0)
        for c in copies:
            c.wait()
        pltpu.sync_copy(ba, oa.at[pl.ds(base, _BPW)])
        pltpu.sync_copy(bu, obu.at[pl.ds(base, _BPW)])
        pltpu.sync_copy(bl, obl.at[pl.ds(base, _BPW)])
        pltpu.sync_copy(bt, ot.at[pl.ds(base, _BPW)])

    return k(table, t, item1, person1, resp1)


def _final_body(table_ref, t_ref, ga_ref, gbu_ref, gbl_ref, gt_ref, resp_ref,
                out_ref):
    tab = table_ref[...]
    tv = t_ref[...]
    sq = jnp.sum(tab * tab) + jnp.sum(tv * tv)
    log_prior = -0.5 * sq - _HALF_LOG_2PI * _N_PARAMS

    ai = ga_ref[...]
    gt = gt_ref[...]
    r = resp_ref[...]
    upper = jnp.where(r == 1, 1.0, _sig(ai * (gt - gbu_ref[...])))
    lower = jnp.where(r == 5, 0.0, _sig(ai * (gt - gbl_ref[...])))
    ll = jnp.sum(jnp.log(upper - lower + 1e-10))

    out_ref[0, 0] = -(ll + log_prior * (BATCH / 1e6))


def kernel(a_, b_base_, b_diff_, t, indices):
    item1 = indices[:, 0]
    person1 = indices[:, 1]
    resp1 = indices[:, 2]

    pad_neg = lambda x: jnp.pad(x, (0, 24), constant_values=-100.0)
    stacked = jnp.concatenate([
        pad_neg(a_).reshape(8, 128),
        jnp.pad(b_base_[:, 0], (0, 24)).reshape(8, 128),
        pad_neg(b_diff_[:, 0]).reshape(8, 128),
        pad_neg(b_diff_[:, 1]).reshape(8, 128),
        pad_neg(b_diff_[:, 2]).reshape(8, 128),
    ], axis=0)

    table = pl.pallas_call(
        _table_body,
        out_shape=jax.ShapeDtypeStruct((40, 128), jnp.float32),
    )(stacked)

    ga, gbu, gbl, gt = _sc_gather(table, t, item1, person1, resp1)

    sq128 = lambda x: x.reshape(128, 128)
    pad_t = jnp.pad(t, (0, 352)).reshape(784, 128)
    out = pl.pallas_call(
        _final_body,
        out_shape=jax.ShapeDtypeStruct((1, 1), jnp.float32),
        out_specs=pl.BlockSpec(memory_space=pltpu.SMEM),
    )(table, pad_t, sq128(ga), sq128(gbu), sq128(gbl), sq128(gt),
      sq128(resp1))
    return out[0, 0]

# --- scband reference (transcript-rebuilt; emitter-appended) ---
"""Pipeline reference for scband-graded-response-model-3530463117766 (READ-ONLY COPY).

The authoritative reference and input builder live on the scoring server;
editing this copy changes nothing except your own understanding.
"""

import jax, jax.numpy as jnp
import numpy as np

N_ITEMS = 1000
N_PERSONS = 100000
N_GRADES = 5
BATCH = 16384
N_RESPONSES_TOTAL = 1000000


def _log_pdf_std_normal(x):
    return jnp.sum(-0.5 * x ** 2 - 0.5 * jnp.log(2.0 * jnp.pi))


def setup_inputs(seed: int = 0):
    key = jax.random.key(seed)
    k1, k2, k3, k4, k5, k6, k7 = jax.random.split(key, 7)
    a_ = 0.1 * jax.random.normal(k1, (N_ITEMS,), dtype=jnp.float32)
    b_base_ = 0.1 * jax.random.normal(k2, (N_ITEMS, 1), dtype=jnp.float32)
    b_diff_ = 0.1 * jax.random.normal(k3, (N_ITEMS, N_GRADES - 2), dtype=jnp.float32)
    t = jax.random.normal(k4, (N_PERSONS,), dtype=jnp.float32)
    items = jax.random.randint(k5, (BATCH,), 0, N_ITEMS)
    persons = jax.random.randint(k6, (BATCH,), 0, N_PERSONS)
    resp = jax.random.randint(k7, (BATCH,), 1, N_GRADES + 1)
    indices = jnp.stack([items, persons, resp], axis=1).astype(jnp.int32)
    return {"a_": a_, "b_base_": b_base_, "b_diff_": b_diff_, "t": t, "indices": indices}


def reference(a_, b_base_, b_diff_, t, indices):
    # properties: a = positive(a_), b = cumsum([b_base_, positive(b_diff_)])
    a = jax.nn.softplus(a_)
    b = jnp.cumsum(jnp.concatenate([b_base_, jax.nn.softplus(b_diff_)], axis=1), axis=1)
    # log_prior: standard normal log pdf over a, b, t
    log_prior = _log_pdf_std_normal(a) + _log_pdf_std_normal(b) + _log_pdf_std_normal(t)
    # log_likelihood2(a, b, t, item, person, response) for the graded response model
    item = indices[:, 0]
    person = indices[:, 1]
    resp = indices[:, 2]
    a_i = jnp.take(a, item, axis=0)
    b_i = jnp.take(b, item, axis=0)
    t_p = jnp.take(t, person, axis=0)
    p_star = jax.nn.sigmoid(a_i[:, None] * (t_p[:, None] - b_i))
    n = indices.shape[0]
    cum = jnp.concatenate([jnp.ones((n, 1), p_star.dtype), p_star, jnp.zeros((n, 1), p_star.dtype)], axis=1)
    upper = jnp.take_along_axis(cum, (resp - 1)[:, None], axis=1)[:, 0]
    lower = jnp.take_along_axis(cum, resp[:, None], axis=1)[:, 0]
    log_lik = jnp.sum(jnp.log(upper - lower + 1e-10))
    log_post = log_lik + log_prior * (n / N_RESPONSES_TOTAL)
    return -log_post

if __name__ == "__main__":
    import jax
    _d = setup_inputs()
    print(jax.jit(kernel)(*tuple(_d.values())))

</pallas_src>

<mosaic_0001>
#map = affine_map<(d0, d1) -> (0, 0)>
#map1 = affine_map<(d0, d1) -> (0)>
module attributes {stable_mosaic.version = 14 : i64} {
  func.func @k(%arg0: i32, %arg1: i32, %arg2: memref<40x128xf32, #tpu.memory_space<hbm>>, %arg3: memref<100000xf32, #tpu.memory_space<hbm>>, %arg4: memref<16384xi32, #tpu.memory_space<hbm>>, %arg5: memref<16384xi32, #tpu.memory_space<hbm>>, %arg6: memref<16384xi32, #tpu.memory_space<hbm>>, %arg7: memref<16384xf32, #tpu.memory_space<hbm>>, %arg8: memref<16384xf32, #tpu.memory_space<hbm>>, %arg9: memref<16384xf32, #tpu.memory_space<hbm>>, %arg10: memref<16384xf32, #tpu.memory_space<hbm>>, %arg11: memref<40x128xf32, #tpu.memory_space<vmem>>, %arg12: memref<512xi32, #tpu.memory_space<vmem>>, %arg13: memref<512xi32, #tpu.memory_space<vmem>>, %arg14: memref<512xi32, #tpu.memory_space<vmem>>, %arg15: memref<512xf32, #tpu.memory_space<vmem>>, %arg16: memref<512xf32, #tpu.memory_space<vmem>>, %arg17: memref<512xf32, #tpu.memory_space<vmem>>, %arg18: memref<512xf32, #tpu.memory_space<vmem>>, %arg19: memref<!tpu.dma_semaphore, #tpu.memory_space<semaphore_mem>>) attributes {dimension_semantics = [#tpu.dimension_semantics<core_parallel>, #tpu.dimension_semantics<subcore_parallel>], iteration_bounds = array<i64: 2, 16>, scalar_prefetch = 0 : i64, scratch_operands = 9 : i64, tpu.core_type = #tpu.core_type<sc_vector_subcore>, window_params = [{transform_indices = #map}, {transform_indices = #map1}, {transform_indices = #map1}, {transform_indices = #map1}, {transform_indices = #map1}, {transform_indices = #map1}, {transform_indices = #map1}, {transform_indices = #map1}, {transform_indices = #map1}]} {
    %mul3A = arith.constant 2 : i32
    %mul3A_0 = arith.muli %arg1, %mul3A : i32
    %add3A = arith.addi %mul3A_0, %arg0 : i32
    %mul3A_1 = arith.constant 512 : i32
    %mul3A_2 = arith.muli %add3A, %mul3A_1 : i32
    "tpu.region"() ({
      %run_scoped3A = tpu.sem_alloc : memref<!tpu.dma_semaphore, #tpu.memory_space<semaphore_mem>>
      %dma_start3A_55 = tpu.memref_slice %arg4[%mul3A_2] : memref<16384xi32, #tpu.memory_space<hbm>> -> memref<512xi32, #tpu.memory_space<hbm>>
      %dma_start3A_56 = tpu.memref_slice %arg4[%mul3A_2] : memref<16384xi32, #tpu.memory_space<hbm>> -> memref<512xi32, #tpu.memory_space<hbm>>
      tpu.enqueue_dma source(%dma_start3A_56 : memref<512xi32, #tpu.memory_space<hbm>>) target(%arg12 : memref<512xi32, #tpu.memory_space<vmem>>) target_semaphore(%run_scoped3A : memref<!tpu.dma_semaphore, #tpu.memory_space<semaphore_mem>>)
      %dma_wait3A_57 = tpu.memref_slice %arg4[%mul3A_2] : memref<16384xi32, #tpu.memory_space<hbm>> -> memref<512xi32, #tpu.memory_space<hbm>>
      %dma_wait3A_58 = tpu.memref_slice %arg4[%mul3A_2] : memref<16384xi32, #tpu.memory_space<hbm>> -> memref<512xi32, #tpu.memory_space<hbm>>
      tpu.wait_dma2 semaphore(%run_scoped3A : memref<!tpu.dma_semaphore, #tpu.memory_space<semaphore_mem>>) src(%dma_wait3A_58 : memref<512xi32, #tpu.memory_space<hbm>>) dst(%arg12 : memref<512xi32, #tpu.memory_space<vmem>>)
      tpu.yield
    }) : () -> ()
    "tpu.region"() ({
      %run_scoped3A = tpu.sem_alloc : memref<!tpu.dma_semaphore, #tpu.memory_space<semaphore_mem>>
      %dma_start3A_55 = tpu.memref_slice %arg5[%mul3A_2] : memref<16384xi32, #tpu.memory_space<hbm>> -> memref<512xi32, #tpu.memory_space<hbm>>
      %dma_start3A_56 = tpu.memref_slice %arg5[%mul3A_2] : memref<16384xi32, #tpu.memory_space<hbm>> -> memref<512xi32, #tpu.memory_space<hbm>>
      tpu.enqueue_dma source(%dma_start3A_56 : memref<512xi32, #tpu.memory_space<hbm>>) target(%arg13 : memref<512xi32, #tpu.memory_space<vmem>>) target_semaphore(%run_scoped3A : memref<!tpu.dma_semaphore, #tpu.memory_space<semaphore_mem>>)
      %dma_wait3A_57 = tpu.memref_slice %arg5[%mul3A_2] : memref<16384xi32, #tpu.memory_space<hbm>> -> memref<512xi32, #tpu.memory_space<hbm>>
      %dma_wait3A_58 = tpu.memref_slice %arg5[%mul3A_2] : memref<16384xi32, #tpu.memory_space<hbm>> -> memref<512xi32, #tpu.memory_space<hbm>>
      tpu.wait_dma2 semaphore(%run_scoped3A : memref<!tpu.dma_semaphore, #tpu.memory_space<semaphore_mem>>) src(%dma_wait3A_58 : memref<512xi32, #tpu.memory_space<hbm>>) dst(%arg13 : memref<512xi32, #tpu.memory_space<vmem>>)
      tpu.yield
    }) : () -> ()
    "tpu.region"() ({
      %run_scoped3A = tpu.sem_alloc : memref<!tpu.dma_semaphore, #tpu.memory_space<semaphore_mem>>
      %dma_start3A_55 = tpu.memref_slice %arg6[%mul3A_2] : memref<16384xi32, #tpu.memory_space<hbm>> -> memref<512xi32, #tpu.memory_space<hbm>>
      %dma_start3A_56 = tpu.memref_slice %arg6[%mul3A_2] : memref<16384xi32, #tpu.memory_space<hbm>> -> memref<512xi32, #tpu.memory_space<hbm>>
      tpu.enqueue_dma source(%dma_start3A_56 : memref<512xi32, #tpu.memory_space<hbm>>) target(%arg14 : memref<512xi32, #tpu.memory_space<vmem>>) target_semaphore(%run_scoped3A : memref<!tpu.dma_semaphore, #tpu.memory_space<semaphore_mem>>)
      %dma_wait3A_57 = tpu.memref_slice %arg6[%mul3A_2] : memref<16384xi32, #tpu.memory_space<hbm>> -> memref<512xi32, #tpu.memory_space<hbm>>
      %dma_wait3A_58 = tpu.memref_slice %arg6[%mul3A_2] : memref<16384xi32, #tpu.memory_space<hbm>> -> memref<512xi32, #tpu.memory_space<hbm>>
      tpu.wait_dma2 semaphore(%run_scoped3A : memref<!tpu.dma_semaphore, #tpu.memory_space<semaphore_mem>>) src(%dma_wait3A_58 : memref<512xi32, #tpu.memory_space<hbm>>) dst(%arg14 : memref<512xi32, #tpu.memory_space<vmem>>)
      tpu.yield
    }) : () -> ()
    %dma_start3A = arith.constant 0 : i32
    %dma_start3A_3 = tpu.memref_slice %arg18[%dma_start3A] : memref<512xf32, #tpu.memory_space<vmem>> -> memref<128xf32, #tpu.memory_space<vmem>>
    %dma_start3A_4 = arith.constant 0 : i32
    %dma_start3A_5 = tpu.memref_slice %arg13[%dma_start3A_4] : memref<512xi32, #tpu.memory_space<vmem>> -> memref<128xi32, #tpu.memory_space<vmem>>
    %dma_start3A_6 = arith.constant 0 : i32
    %dma_start3A_7 = tpu.memref_slice %arg3[%dma_start3A_6] : memref<100000xf32, #tpu.memory_space<hbm>> -> memref<100000xf32, #tpu.memory_space<hbm>>
    tpu.enqueue_indirect_dma source(%dma_start3A_7 : memref<100000xf32, #tpu.memory_space<hbm>>) target(%dma_start3A_3 : memref<128xf32, #tpu.memory_space<vmem>>) offsets(%dma_start3A_5 : memref<128xi32, #tpu.memory_space<vmem>>) semaphore(%arg19 : memref<!tpu.dma_semaphore, #tpu.memory_space<semaphore_mem>>)
    %dma_start3A_8 = arith.constant 128 : i32
    %dma_start3A_9 = tpu.memref_slice %arg18[%dma_start3A_8] : memref<512xf32, #tpu.memory_space<vmem>> -> memref<128xf32, #tpu.memory_space<vmem>>
    %dma_start3A_10 = arith.constant 128 : i32
    %dma_start3A_11 = tpu.memref_slice %arg13[%dma_start3A_10] : memref<512xi32, #tpu.memory_space<vmem>> -> memref<128xi32, #tpu.memory_space<vmem>>
    %dma_start3A_12 = arith.constant 0 : i32
    %dma_start3A_13 = tpu.memref_slice %arg3[%dma_start3A_12] : memref<100000xf32, #tpu.memory_space<hbm>> -> memref<100000xf32, #tpu.memory_space<hbm>>
    tpu.enqueue_indirect_dma source(%dma_start3A_13 : memref<100000xf32, #tpu.memory_space<hbm>>) target(%dma_start3A_9 : memref<128xf32, #tpu.memory_space<vmem>>) offsets(%dma_start3A_11 : memref<128xi32, #tpu.memory_space<vmem>>) semaphore(%arg19 : memref<!tpu.dma_semaphore, #tpu.memory_space<semaphore_mem>>)
    %dma_start3A_14 = arith.constant 256 : i32
    %dma_start3A_15 = tpu.memref_slice %arg18[%dma_start3A_14] : memref<512xf32, #tpu.memory_space<vmem>> -> memref<128xf32, #tpu.memory_space<vmem>>
    %dma_start3A_16 = arith.constant 256 : i32
    %dma_start3A_17 = tpu.memref_slice %arg13[%dma_start3A_16] : memref<512xi32, #tpu.memory_space<vmem>> -> memref<128xi32, #tpu.memory_space<vmem>>
    %dma_start3A_18 = arith.constant 0 : i32
    %dma_start3A_19 = tpu.memref_slice %arg3[%dma_start3A_18] : memref<100000xf32, #tpu.memory_space<hbm>> -> memref<100000xf32, #tpu.memory_space<hbm>>
    tpu.enqueue_indirect_dma source(%dma_start3A_19 : memref<100000xf32, #tpu.memory_space<hbm>>) target(%dma_start3A_15 : memref<128xf32, #tpu.memory_space<vmem>>) offsets(%dma_start3A_17 : memref<128xi32, #tpu.memory_space<vmem>>) semaphore(%arg19 : memref<!tpu.dma_semaphore, #tpu.memory_space<semaphore_mem>>)
    %dma_start3A_20 = arith.constant 384 : i32
    %dma_start3A_21 = tpu.memref_slice %arg18[%dma_start3A_20] : memref<512xf32, #tpu.memory_space<vmem>> -> memref<128xf32, #tpu.memory_space<vmem>>
    %dma_start3A_22 = arith.constant 384 : i32
    %dma_start3A_23 = tpu.memref_slice %arg13[%dma_start3A_22] : memref<512xi32, #tpu.memory_space<vmem>> -> memref<128xi32, #tpu.memory_space<vmem>>
    %dma_start3A_24 = arith.constant 0 : i32
    %dma_start3A_25 = tpu.memref_slice %arg3[%dma_start3A_24] : memref<100000xf32, #tpu.memory_space<hbm>> -> memref<100000xf32, #tpu.memory_space<hbm>>
    tpu.enqueue_indirect_dma source(%dma_start3A_25 : memref<100000xf32, #tpu.memory_space<hbm>>) target(%dma_start3A_21 : memref<128xf32, #tpu.memory_space<vmem>>) offsets(%dma_start3A_23 : memref<128xi32, #tpu.memory_space<vmem>>) semaphore(%arg19 : memref<!tpu.dma_semaphore, #tpu.memory_space<semaphore_mem>>)
    "tpu.region"() ({
      %run_scoped3A = tpu.sem_alloc : memref<!tpu.dma_semaphore, #tpu.memory_space<semaphore_mem>>
      tpu.enqueue_dma source(%arg2 : memref<40x128xf32, #tpu.memory_space<hbm>>) target(%arg11 : memref<40x128xf32, #tpu.memory_space<vmem>>) target_semaphore(%run_scoped3A : memref<!tpu.dma_semaphore, #tpu.memory_space<semaphore_mem>>)
      tpu.wait_dma2 semaphore(%run_scoped3A : memref<!tpu.dma_semaphore, #tpu.memory_space<semaphore_mem>>) src(%arg2 : memref<40x128xf32, #tpu.memory_space<hbm>>) dst(%arg11 : memref<40x128xf32, #tpu.memory_space<vmem>>)
      tpu.yield
    }) : () -> ()
    %scan3A = arith.constant 0 : i32
    %scan3A_26 = arith.constant 0 : i32
    %scan3A_27 = arith.constant 32 : i32
    %scan3A_28 = arith.addi %scan3A_26, %scan3A_27 : i32
    %scan3A_29 = arith.constant 1 : i32
    %scan3A_30 = scf.for %scan3A_55 = %scan3A_26 to %scan3A_28 step %scan3A_29 iter_args(%scan3A_56 = %scan3A) -> (i32)  : i32 {
      %mul3A_57 = arith.constant 16 : i32
      %mul3A_58 = arith.muli %scan3A_55, %mul3A_57 : i32
      %get3A = arith.index_cast %mul3A_58 : i32 to index
      %get3A_59 = tpu.vector_load %arg12[%get3A] {strides = array<i32>} : memref<512xi32, #tpu.memory_space<vmem>>, vector<16xi32>,
      %get3A_60 = arith.index_cast %mul3A_58 : i32 to index
      %get3A_61 = tpu.vector_load %arg14[%get3A_60] {strides = array<i32>} : memref<512xi32, #tpu.memory_space<vmem>>, vector<16xi32>,
      %shift_right_logical3A = arith.constant 7 : i32
      %shift_right_logical3A_62 = vector.broadcast %shift_right_logical3A : i32 to vector<16xi32>
      %shift_right_logical3A_63 = arith.shrui %get3A_59, %shift_right_logical3A_62 : vector<16xi32>
      %and3A = arith.constant 127 : i32
      %and3A_64 = vector.broadcast %and3A : i32 to vector<16xi32>
      %and3A_65 = arith.andi %get3A_59, %and3A_64 : vector<16xi32>
      %sub3A = arith.constant 2 : i32
      %sub3A_66 = vector.broadcast %sub3A : i32 to vector<16xi32>
      %sub3A_67 = arith.subi %get3A_61, %sub3A_66 : vector<16xi32>
      %max3A = arith.constant 0 : i32
      %max3A_68 = vector.broadcast %max3A : i32 to vector<16xi32>
      %max3A_69 = arith.maxsi %sub3A_67, %max3A_68 : vector<16xi32>
      %sub3A_70 = arith.constant 1 : i32
      %sub3A_71 = vector.broadcast %sub3A_70 : i32 to vector<16xi32>
      %sub3A_72 = arith.subi %get3A_61, %sub3A_71 : vector<16xi32>
      %min3A = arith.constant 3 : i32
      %min3A_73 = vector.broadcast %min3A : i32 to vector<16xi32>
      %min3A_74 = arith.minsi %sub3A_72, %min3A_73 : vector<16xi32>
      %gather3A = tpu.vector_load_idx %arg11[%shift_right_logical3A_63, %and3A_65] : memref<40x128xf32, #tpu.memory_space<vmem>>[vector<16xi32>, vector<16xi32>], vector<16xf32>,
      %swap3A = arith.index_cast %mul3A_58 : i32 to index
      %swap3A_75 = tpu.vector_load %arg15[%swap3A] {strides = array<i32>} : memref<512xf32, #tpu.memory_space<vmem>>, vector<16xf32>,
      tpu.vector_store %arg15[%swap3A], %gather3A {strides = array<i32>} : memref<512xf32, #tpu.memory_space<vmem>>, vector<16xf32>,
      %add3A_76 = arith.constant 1 : i32
      %add3A_77 = vector.broadcast %add3A_76 : i32 to vector<16xi32>
      %add3A_78 = arith.addi %max3A_69, %add3A_77 : vector<16xi32>
      %shift_left3A = arith.constant 3 : i32
      %shift_left3A_79 = vector.broadcast %shift_left3A : i32 to vector<16xi32>
      %shift_left3A_80 = arith.shli %add3A_78, %shift_left3A_79 : vector<16xi32>
      %add3A_81 = arith.addi %shift_left3A_80, %shift_right_logical3A_63 : vector<16xi32>
      %gather3A_82 = tpu.vector_load_idx %arg11[%add3A_81, %and3A_65] : memref<40x128xf32, #tpu.memory_space<vmem>>[vector<16xi32>, vector<16xi32>], vector<16xf32>,
      %swap3A_83 = arith.index_cast %mul3A_58 : i32 to index
      %swap3A_84 = tpu.vector_load %arg16[%swap3A_83] {strides = array<i32>} : memref<512xf32, #tpu.memory_space<vmem>>, vector<16xf32>,
      tpu.vector_store %arg16[%swap3A_83], %gather3A_82 {strides = array<i32>} : memref<512xf32, #tpu.memory_space<vmem>>, vector<16xf32>,
      %add3A_85 = arith.constant 1 : i32
      %add3A_86 = vector.broadcast %add3A_85 : i32 to vector<16xi32>
      %add3A_87 = arith.addi %min3A_74, %add3A_86 : vector<16xi32>
      %shift_left3A_88 = arith.constant 3 : i32
      %shift_left3A_89 = vector.broadcast %shift_left3A_88 : i32 to vector<16xi32>
      %shift_left3A_90 = arith.shli %add3A_87, %shift_left3A_89 : vector<16xi32>
      %add3A_91 = arith.addi %shift_left3A_90, %shift_right_logical3A_63 : vector<16xi32>
      %gather3A_92 = tpu.vector_load_idx %arg11[%add3A_91, %and3A_65] : memref<40x128xf32, #tpu.memory_space<vmem>>[vector<16xi32>, vector<16xi32>], vector<16xf32>,
      %swap3A_93 = arith.index_cast %mul3A_58 : i32 to index
      %swap3A_94 = tpu.vector_load %arg17[%swap3A_93] {strides = array<i32>} : memref<512xf32, #tpu.memory_space<vmem>>, vector<16xf32>,
      tpu.vector_store %arg17[%swap3A_93], %gather3A_92 {strides = array<i32>} : memref<512xf32, #tpu.memory_space<vmem>>, vector<16xf32>,
      %scan3A_95 = arith.constant 0 : i32
      scf.yield %scan3A_95 : i32
    }
    %scan3A_31 = arith.constant 32 : i32
    %dma_wait3A = arith.constant 0 : i32
    %dma_wait3A_32 = tpu.memref_slice %arg18[%dma_wait3A] : memref<512xf32, #tpu.memory_space<vmem>> -> memref<128xf32, #tpu.memory_space<vmem>>
    %dma_wait3A_33 = arith.constant 0 : i32
    %dma_wait3A_34 = tpu.memref_slice %arg13[%dma_wait3A_33] : memref<512xi32, #tpu.memory_space<vmem>> -> memref<128xi32, #tpu.memory_space<vmem>>
    %dma_wait3A_35 = arith.constant 0 : i32
    %dma_wait3A_36 = tpu.memref_slice %arg3[%dma_wait3A_35] : memref<100000xf32, #tpu.memory_space<hbm>> -> memref<100000xf32, #tpu.memory_space<hbm>>
    tpu.wait_indirect_dma semaphore(%arg19 : memref<!tpu.dma_semaphore, #tpu.memory_space<semaphore_mem>>) src(%dma_wait3A_36 : memref<100000xf32, #tpu.memory_space<hbm>>) dst(%dma_wait3A_32 : memref<128xf32, #tpu.memory_space<vmem>>)
    %dma_wait3A_37 = arith.constant 128 : i32
    %dma_wait3A_38 = tpu.memref_slice %arg18[%dma_wait3A_37] : memref<512xf32, #tpu.memory_space<vmem>> -> memref<128xf32, #tpu.memory_space<vmem>>
    %dma_wait3A_39 = arith.constant 128 : i32
    %dma_wait3A_40 = tpu.memref_slice %arg13[%dma_wait3A_39] : memref<512xi32, #tpu.memory_space<vmem>> -> memref<128xi32, #tpu.memory_space<vmem>>
    %dma_wait3A_41 = arith.constant 0 : i32
    %dma_wait3A_42 = tpu.memref_slice %arg3[%dma_wait3A_41] : memref<100000xf32, #tpu.memory_space<hbm>> -> memref<100000xf32, #tpu.memory_space<hbm>>
    tpu.wait_indirect_dma semaphore(%arg19 : memref<!tpu.dma_semaphore, #tpu.memory_space<semaphore_mem>>) src(%dma_wait3A_42 : memref<100000xf32, #tpu.memory_space<hbm>>) dst(%dma_wait3A_38 : memref<128xf32, #tpu.memory_space<vmem>>)
    %dma_wait3A_43 = arith.constant 256 : i32
    %dma_wait3A_44 = tpu.memref_slice %arg18[%dma_wait3A_43] : memref<512xf32, #tpu.memory_space<vmem>> -> memref<128xf32, #tpu.memory_space<vmem>>
    %dma_wait3A_45 = arith.constant 256 : i32
    %dma_wait3A_46 = tpu.memref_slice %arg13[%dma_wait3A_45] : memref<512xi32, #tpu.memory_space<vmem>> -> memref<128xi32, #tpu.memory_space<vmem>>
    %dma_wait3A_47 = arith.constant 0 : i32
    %dma_wait3A_48 = tpu.memref_slice %arg3[%dma_wait3A_47] : memref<100000xf32, #tpu.memory_space<hbm>> -> memref<100000xf32, #tpu.memory_space<hbm>>
    tpu.wait_indirect_dma semaphore(%arg19 : memref<!tpu.dma_semaphore, #tpu.memory_space<semaphore_mem>>) src(%dma_wait3A_48 : memref<100000xf32, #tpu.memory_space<hbm>>) dst(%dma_wait3A_44 : memref<128xf32, #tpu.memory_space<vmem>>)
    %dma_wait3A_49 = arith.constant 384 : i32
    %dma_wait3A_50 = tpu.memref_slice %arg18[%dma_wait3A_49] : memref<512xf32, #tpu.memory_space<vmem>> -> memref<128xf32, #tpu.memory_space<vmem>>
    %dma_wait3A_51 = arith.constant 384 : i32
    %dma_wait3A_52 = tpu.memref_slice %arg13[%dma_wait3A_51] : memref<512xi32, #tpu.memory_space<vmem>> -> memref<128xi32, #tpu.memory_space<vmem>>
    %dma_wait3A_53 = arith.constant 0 : i32
    %dma_wait3A_54 = tpu.memref_slice %arg3[%dma_wait3A_53] : memref<100000xf32, #tpu.memory_space<hbm>> -> memref<100000xf32, #tpu.memory_space<hbm>>
    tpu.wait_indirect_dma semaphore(%arg19 : memref<!tpu.dma_semaphore, #tpu.memory_space<semaphore_mem>>) src(%dma_wait3A_54 : memref<100000xf32, #tpu.memory_space<hbm>>) dst(%dma_wait3A_50 : memref<128xf32, #tpu.memory_space<vmem>>)
    "tpu.region"() ({
      %run_scoped3A = tpu.sem_alloc : memref<!tpu.dma_semaphore, #tpu.memory_space<semaphore_mem>>
      %dma_start3A_55 = tpu.memref_slice %arg7[%mul3A_2] : memref<16384xf32, #tpu.memory_space<hbm>> -> memref<512xf32, #tpu.memory_space<hbm>>
      %dma_start3A_56 = tpu.memref_slice %arg7[%mul3A_2] : memref<16384xf32, #tpu.memory_space<hbm>> -> memref<512xf32, #tpu.memory_space<hbm>>
      tpu.enqueue_dma source(%arg15 : memref<512xf32, #tpu.memory_space<vmem>>) target(%dma_start3A_56 : memref<512xf32, #tpu.memory_space<hbm>>) target_semaphore(%run_scoped3A : memref<!tpu.dma_semaphore, #tpu.memory_space<semaphore_mem>>)
      %dma_wait3A_57 = tpu.memref_slice %arg7[%mul3A_2] : memref<16384xf32, #tpu.memory_space<hbm>> -> memref<512xf32, #tpu.memory_space<hbm>>
      %dma_wait3A_58 = tpu.memref_slice %arg7[%mul3A_2] : memref<16384xf32, #tpu.memory_space<hbm>> -> memref<512xf32, #tpu.memory_space<hbm>>
      tpu.wait_dma2 semaphore(%run_scoped3A : memref<!tpu.dma_semaphore, #tpu.memory_space<semaphore_mem>>) src(%arg15 : memref<512xf32, #tpu.memory_space<vmem>>) dst(%dma_wait3A_58 : memref<512xf32, #tpu.memory_space<hbm>>)
      tpu.yield
    }) : () -> ()
    "tpu.region"() ({
      %run_scoped3A = tpu.sem_alloc : memref<!tpu.dma_semaphore, #tpu.memory_space<semaphore_mem>>
      %dma_start3A_55 = tpu.memref_slice %arg8[%mul3A_2] : memref<16384xf32, #tpu.memory_space<hbm>> -> memref<512xf32, #tpu.memory_space<hbm>>
      %dma_start3A_56 = tpu.memref_slice %arg8[%mul3A_2] : memref<16384xf32, #tpu.memory_space<hbm>> -> memref<512xf32, #tpu.memory_space<hbm>>
      tpu.enqueue_dma source(%arg16 : memref<512xf32, #tpu.memory_space<vmem>>) target(%dma_start3A_56 : memref<512xf32, #tpu.memory_space<hbm>>) target_semaphore(%run_scoped3A : memref<!tpu.dma_semaphore, #tpu.memory_space<semaphore_mem>>)
      %dma_wait3A_57 = tpu.memref_slice %arg8[%mul3A_2] : memref<16384xf32, #tpu.memory_space<hbm>> -> memref<512xf32, #tpu.memory_space<hbm>>
      %dma_wait3A_58 = tpu.memref_slice %arg8[%mul3A_2] : memref<16384xf32, #tpu.memory_space<hbm>> -> memref<512xf32, #tpu.memory_space<hbm>>
      tpu.wait_dma2 semaphore(%run_scoped3A : memref<!tpu.dma_semaphore, #tpu.memory_space<semaphore_mem>>) src(%arg16 : memref<512xf32, #tpu.memory_space<vmem>>) dst(%dma_wait3A_58 : memref<512xf32, #tpu.memory_space<hbm>>)
      tpu.yield
    }) : () -> ()
    "tpu.region"() ({
      %run_scoped3A = tpu.sem_alloc : memref<!tpu.dma_semaphore, #tpu.memory_space<semaphore_mem>>
      %dma_start3A_55 = tpu.memref_slice %arg9[%mul3A_2] : memref<16384xf32, #tpu.memory_space<hbm>> -> memref<512xf32, #tpu.memory_space<hbm>>
      %dma_start3A_56 = tpu.memref_slice %arg9[%mul3A_2] : memref<16384xf32, #tpu.memory_space<hbm>> -> memref<512xf32, #tpu.memory_space<hbm>>
      tpu.enqueue_dma source(%arg17 : memref<512xf32, #tpu.memory_space<vmem>>) target(%dma_start3A_56 : memref<512xf32, #tpu.memory_space<hbm>>) target_semaphore(%run_scoped3A : memref<!tpu.dma_semaphore, #tpu.memory_space<semaphore_mem>>)
      %dma_wait3A_57 = tpu.memref_slice %arg9[%mul3A_2] : memref<16384xf32, #tpu.memory_space<hbm>> -> memref<512xf32, #tpu.memory_space<hbm>>
      %dma_wait3A_58 = tpu.memref_slice %arg9[%mul3A_2] : memref<16384xf32, #tpu.memory_space<hbm>> -> memref<512xf32, #tpu.memory_space<hbm>>
      tpu.wait_dma2 semaphore(%run_scoped3A : memref<!tpu.dma_semaphore, #tpu.memory_space<semaphore_mem>>) src(%arg17 : memref<512xf32, #tpu.memory_space<vmem>>) dst(%dma_wait3A_58 : memref<512xf32, #tpu.memory_space<hbm>>)
      tpu.yield
    }) : () -> ()
    "tpu.region"() ({
      %run_scoped3A = tpu.sem_alloc : memref<!tpu.dma_semaphore, #tpu.memory_space<semaphore_mem>>
      %dma_start3A_55 = tpu.memref_slice %arg10[%mul3A_2] : memref<16384xf32, #tpu.memory_space<hbm>> -> memref<512xf32, #tpu.memory_space<hbm>>
      %dma_start3A_56 = tpu.memref_slice %arg10[%mul3A_2] : memref<16384xf32, #tpu.memory_space<hbm>> -> memref<512xf32, #tpu.memory_space<hbm>>
      tpu.enqueue_dma source(%arg18 : memref<512xf32, #tpu.memory_space<vmem>>) target(%dma_start3A_56 : memref<512xf32, #tpu.memory_space<hbm>>) target_semaphore(%run_scoped3A : memref<!tpu.dma_semaphore, #tpu.memory_space<semaphore_mem>>)
      %dma_wait3A_57 = tpu.memref_slice %arg10[%mul3A_2] : memref<16384xf32, #tpu.memory_space<hbm>> -> memref<512xf32, #tpu.memory_space<hbm>>
      %dma_wait3A_58 = tpu.memref_slice %arg10[%mul3A_2] : memref<16384xf32, #tpu.memory_space<hbm>> -> memref<512xf32, #tpu.memory_space<hbm>>
      tpu.wait_dma2 semaphore(%run_scoped3A : memref<!tpu.dma_semaphore, #tpu.memory_space<semaphore_mem>>) src(%arg18 : memref<512xf32, #tpu.memory_space<vmem>>) dst(%dma_wait3A_58 : memref<512xf32, #tpu.memory_space<hbm>>)
      tpu.yield
    }) : () -> ()
    return
  }
}

module attributes {stable_mosaic.version = 14 : i64} {
  func.func @_table_body(%arg0: memref<40x128xf32, #tpu.memory_space<vmem>>, %arg1: memref<40x128xf32, #tpu.memory_space<vmem>>) attributes {dimension_semantics = [], scalar_prefetch = 0 : i64, scratch_operands = 0 : i64, tpu.core_type = #tpu.core_type<tc>} {
    %get3A = arith.constant 0 : index
    %get3A_0 = arith.constant 0 : index
    %get3A_1 = vector.load %arg0[%get3A, %get3A_0] : memref<40x128xf32, #tpu.memory_space<vmem>>, vector<40x128xf32>
    %slice3A = vector.extract_strided_slice %get3A_1 {offsets = [0, 0], sizes = [8, 128], strides = [1, 1]} : vector<40x128xf32> to vector<8x128xf32>
    %max3A = arith.constant 0.000000e+00 : f32
    %max3A_2 = vector.broadcast %max3A : f32 to vector<8x128xf32>
    %max3A_3 = arith.maximumf %slice3A, %max3A_2 : vector<8x128xf32>
    %abs3A = math.absf %slice3A : vector<8x128xf32>
    %neg3A = arith.constant 0.000000e+00 : f32
    %neg3A_4 = vector.broadcast %neg3A : f32 to vector<8x128xf32>
    %neg3A_5 = arith.subf %neg3A_4, %abs3A : vector<8x128xf32>
    %exp3A = math.exp %neg3A_5 : vector<8x128xf32>
    %add3A = arith.constant 1.000000e+00 : f32
    %add3A_6 = vector.broadcast %add3A : f32 to vector<8x128xf32>
    %add3A_7 = arith.addf %add3A_6, %exp3A : vector<8x128xf32>
    %log3A = math.log %add3A_7 : vector<8x128xf32>
    %add3A_8 = arith.addf %max3A_3, %log3A : vector<8x128xf32>
    %slice3A_9 = vector.extract_strided_slice %get3A_1 {offsets = [8, 0], sizes = [8, 128], strides = [1, 1]} : vector<40x128xf32> to vector<8x128xf32>
    %slice3A_10 = vector.extract_strided_slice %get3A_1 {offsets = [16, 0], sizes = [8, 128], strides = [1, 1]} : vector<40x128xf32> to vector<8x128xf32>
    %max3A_11 = arith.constant 0.000000e+00 : f32
    %max3A_12 = vector.broadcast %max3A_11 : f32 to vector<8x128xf32>
    %max3A_13 = arith.maximumf %slice3A_10, %max3A_12 : vector<8x128xf32>
    %abs3A_14 = math.absf %slice3A_10 : vector<8x128xf32>
    %neg3A_15 = arith.constant 0.000000e+00 : f32
    %neg3A_16 = vector.broadcast %neg3A_15 : f32 to vector<8x128xf32>
    %neg3A_17 = arith.subf %neg3A_16, %abs3A_14 : vector<8x128xf32>
    %exp3A_18 = math.exp %neg3A_17 : vector<8x128xf32>
    %add3A_19 = arith.constant 1.000000e+00 : f32
    %add3A_20 = vector.broadcast %add3A_19 : f32 to vector<8x128xf32>
    %add3A_21 = arith.addf %add3A_20, %exp3A_18 : vector<8x128xf32>
    %log3A_22 = math.log %add3A_21 : vector<8x128xf32>
    %add3A_23 = arith.addf %max3A_13, %log3A_22 : vector<8x128xf32>
    %add3A_24 = arith.addf %slice3A_9, %add3A_23 : vector<8x128xf32>
    %slice3A_25 = vector.extract_strided_slice %get3A_1 {offsets = [24, 0], sizes = [8, 128], strides = [1, 1]} : vector<40x128xf32> to vector<8x128xf32>
    %max3A_26 = arith.constant 0.000000e+00 : f32
    %max3A_27 = vector.broadcast %max3A_26 : f32 to vector<8x128xf32>
    %max3A_28 = arith.maximumf %slice3A_25, %max3A_27 : vector<8x128xf32>
    %abs3A_29 = math.absf %slice3A_25 : vector<8x128xf32>
    %neg3A_30 = arith.constant 0.000000e+00 : f32
    %neg3A_31 = vector.broadcast %neg3A_30 : f32 to vector<8x128xf32>
    %neg3A_32 = arith.subf %neg3A_31, %abs3A_29 : vector<8x128xf32>
    %exp3A_33 = math.exp %neg3A_32 : vector<8x128xf32>
    %add3A_34 = arith.constant 1.000000e+00 : f32
    %add3A_35 = vector.broadcast %add3A_34 : f32 to vector<8x128xf32>
    %add3A_36 = arith.addf %add3A_35, %exp3A_33 : vector<8x128xf32>
    %log3A_37 = math.log %add3A_36 : vector<8x128xf32>
    %add3A_38 = arith.addf %max3A_28, %log3A_37 : vector<8x128xf32>
    %add3A_39 = arith.addf %add3A_24, %add3A_38 : vector<8x128xf32>
    %slice3A_40 = vector.extract_strided_slice %get3A_1 {offsets = [32, 0], sizes = [8, 128], strides = [1, 1]} : vector<40x128xf32> to vector<8x128xf32>
    %max3A_41 = arith.constant 0.000000e+00 : f32
    %max3A_42 = vector.broadcast %max3A_41 : f32 to vector<8x128xf32>
    %max3A_43 = arith.maximumf %slice3A_40, %max3A_42 : vector<8x128xf32>
    %abs3A_44 = math.absf %slice3A_40 : vector<8x128xf32>
    %neg3A_45 = arith.constant 0.000000e+00 : f32
    %neg3A_46 = vector.broadcast %neg3A_45 : f32 to vector<8x128xf32>
    %neg3A_47 = arith.subf %neg3A_46, %abs3A_44 : vector<8x128xf32>
    %exp3A_48 = math.exp %neg3A_47 : vector<8x128xf32>
    %add3A_49 = arith.constant 1.000000e+00 : f32
    %add3A_50 = vector.broadcast %add3A_49 : f32 to vector<8x128xf32>
    %add3A_51 = arith.addf %add3A_50, %exp3A_48 : vector<8x128xf32>
    %log3A_52 = math.log %add3A_51 : vector<8x128xf32>
    %add3A_53 = arith.addf %max3A_43, %log3A_52 : vector<8x128xf32>
    %add3A_54 = arith.addf %add3A_39, %add3A_53 : vector<8x128xf32>
    %swap3A = arith.constant 0 : index
    %swap3A_55 = arith.constant 0 : index
    %swap3A_56 = vector.load %arg1[%swap3A, %swap3A_55] : memref<40x128xf32, #tpu.memory_space<vmem>>, vector<8x128xf32>
    tpu.vector_store %arg1[%swap3A, %swap3A_55], %add3A_8 {strides = array<i32>} : memref<40x128xf32, #tpu.memory_space<vmem>>, vector<8x128xf32>,
    %swap3A_57 = arith.constant 8 : index
    %swap3A_58 = arith.constant 0 : index
    %swap3A_59 = vector.load %arg1[%swap3A_57, %swap3A_58] : memref<40x128xf32, #tpu.memory_space<vmem>>, vector<8x128xf32>
    tpu.vector_store %arg1[%swap3A_57, %swap3A_58], %slice3A_9 {strides = array<i32>} : memref<40x128xf32, #tpu.memory_space<vmem>>, vector<8x128xf32>,
    %swap3A_60 = arith.constant 16 : index
    %swap3A_61 = arith.constant 0 : index
    %swap3A_62 = vector.load %arg1[%swap3A_60, %swap3A_61] : memref<40x128xf32, #tpu.memory_space<vmem>>, vector<8x128xf32>
    tpu.vector_store %arg1[%swap3A_60, %swap3A_61], %add3A_24 {strides = array<i32>} : memref<40x128xf32, #tpu.memory_space<vmem>>, vector<8x128xf32>,
    %swap3A_63 = arith.constant 24 : index
    %swap3A_64 = arith.constant 0 : index
    %swap3A_65 = vector.load %arg1[%swap3A_63, %swap3A_64] : memref<40x128xf32, #tpu.memory_space<vmem>>, vector<8x128xf32>
    tpu.vector_store %arg1[%swap3A_63, %swap3A_64], %add3A_39 {strides = array<i32>} : memref<40x128xf32, #tpu.memory_space<vmem>>, vector<8x128xf32>,
    %swap3A_66 = arith.constant 32 : index
    %swap3A_67 = arith.constant 0 : index
    %swap3A_68 = vector.load %arg1[%swap3A_66, %swap3A_67] : memref<40x128xf32, #tpu.memory_space<vmem>>, vector<8x128xf32>
    tpu.vector_store %arg1[%swap3A_66, %swap3A_67], %add3A_54 {strides = array<i32>} : memref<40x128xf32, #tpu.memory_space<vmem>>, vector<8x128xf32>,
    return
  }
}

module attributes {stable_mosaic.version = 14 : i64} {
  func.func @_final_body(%arg0: memref<40x128xf32, #tpu.memory_space<vmem>>, %arg1: memref<784x128xf32, #tpu.memory_space<vmem>>, %arg2: memref<128x128xf32, #tpu.memory_space<vmem>>, %arg3: memref<128x128xf32, #tpu.memory_space<vmem>>, %arg4: memref<128x128xf32, #tpu.memory_space<vmem>>, %arg5: memref<128x128xf32, #tpu.memory_space<vmem>>, %arg6: memref<128x128xi32, #tpu.memory_space<vmem>>, %arg7: memref<1x1xf32, #tpu.memory_space<smem>>) attributes {dimension_semantics = [], scalar_prefetch = 0 : i64, scratch_operands = 0 : i64, tpu.core_type = #tpu.core_type<tc>} {
    %get3A = arith.constant 0 : index
    %get3A_0 = arith.constant 0 : index
    %get3A_1 = vector.load %arg0[%get3A, %get3A_0] : memref<40x128xf32, #tpu.memory_space<vmem>>, vector<40x128xf32>
    %get3A_2 = arith.constant 0 : index
    %get3A_3 = arith.constant 0 : index
    %get3A_4 = vector.load %arg1[%get3A_2, %get3A_3] : memref<784x128xf32, #tpu.memory_space<vmem>>, vector<784x128xf32>
    %mul3A = arith.mulf %get3A_1, %get3A_1 : vector<40x128xf32>
    %reduce_sum3A = vector.shape_cast %mul3A : vector<40x128xf32> to vector<1x40x128xf32>
    %reduce_sum3A_5 = arith.constant dense<0.000000e+00> : vector<1xf32>
    %reduce_sum3A_6 = vector.multi_reduction <add>, %reduce_sum3A, %reduce_sum3A_5 [1, 2] : vector<1x40x128xf32> to vector<1xf32>
    %reduce_sum3A_7 = vector.shape_cast %reduce_sum3A_6 : vector<1xf32> to vector<1x1x1xf32>
    %reduce_sum3A_8 = vector.extract %reduce_sum3A_7[0, 0, 0] : f32 from vector<1x1x1xf32>
    %mul3A_9 = arith.mulf %get3A_4, %get3A_4 : vector<784x128xf32>
    %reduce_sum3A_10 = vector.shape_cast %mul3A_9 : vector<784x128xf32> to vector<1x784x128xf32>
    %reduce_sum3A_11 = arith.constant dense<0.000000e+00> : vector<1xf32>
    %reduce_sum3A_12 = vector.multi_reduction <add>, %reduce_sum3A_10, %reduce_sum3A_11 [1, 2] : vector<1x784x128xf32> to vector<1xf32>
    %reduce_sum3A_13 = vector.shape_cast %reduce_sum3A_12 : vector<1xf32> to vector<1x1x1xf32>
    %reduce_sum3A_14 = vector.extract %reduce_sum3A_13[0, 0, 0] : f32 from vector<1x1x1xf32>
    %add3A = arith.addf %reduce_sum3A_8, %reduce_sum3A_14 : f32
    %mul3A_15 = arith.constant -5.000000e-01 : f32
    %mul3A_16 = arith.mulf %mul3A_15, %add3A : f32
    %sub3A = arith.constant 96488.5468 : f32
    %sub3A_17 = arith.subf %mul3A_16, %sub3A : f32
    %get3A_18 = arith.constant 0 : index
    %get3A_19 = arith.constant 0 : index
    %get3A_20 = vector.load %arg2[%get3A_18, %get3A_19] : memref<128x128xf32, #tpu.memory_space<vmem>>, vector<128x128xf32>
    %get3A_21 = arith.constant 0 : index
    %get3A_22 = arith.constant 0 : index
    %get3A_23 = vector.load %arg5[%get3A_21, %get3A_22] : memref<128x128xf32, #tpu.memory_space<vmem>>, vector<128x128xf32>
    %get3A_24 = arith.constant 0 : index
    %get3A_25 = arith.constant 0 : index
    %get3A_26 = vector.load %arg6[%get3A_24, %get3A_25] : memref<128x128xi32, #tpu.memory_space<vmem>>, vector<128x128xi32>
    %eq3A = arith.constant 1 : i32
    %eq3A_27 = vector.broadcast %eq3A : i32 to vector<128x128xi32>
    %eq3A_28 = arith.cmpi eq, %get3A_26, %eq3A_27 : vector<128x128xi32>
    %get3A_29 = arith.constant 0 : index
    %get3A_30 = arith.constant 0 : index
    %get3A_31 = vector.load %arg3[%get3A_29, %get3A_30] : memref<128x128xf32, #tpu.memory_space<vmem>>, vector<128x128xf32>
    %sub3A_32 = arith.subf %get3A_23, %get3A_31 : vector<128x128xf32>
    %mul3A_33 = arith.mulf %get3A_20, %sub3A_32 : vector<128x128xf32>
    %neg3A = arith.constant 0.000000e+00 : f32
    %neg3A_34 = vector.broadcast %neg3A : f32 to vector<128x128xf32>
    %neg3A_35 = arith.subf %neg3A_34, %mul3A_33 : vector<128x128xf32>
    %exp3A = math.exp %neg3A_35 : vector<128x128xf32>
    %add3A_36 = arith.constant 1.000000e+00 : f32
    %add3A_37 = vector.broadcast %add3A_36 : f32 to vector<128x128xf32>
    %add3A_38 = arith.addf %add3A_37, %exp3A : vector<128x128xf32>
    %div3A = arith.constant 1.000000e+00 : f32
    %div3A_39 = vector.broadcast %div3A : f32 to vector<128x128xf32>
    %div3A_40 = arith.divf %div3A_39, %add3A_38 : vector<128x128xf32>
    %jit3A = arith.constant 1.000000e+00 : f32
    %broadcast_in_dim3A = vector.broadcast %jit3A : f32 to vector<128x128xf32>
    %select_n3A = arith.select %eq3A_28, %broadcast_in_dim3A, %div3A_40 : vector<128x128xi1>, vector<128x128xf32>
    %eq3A_41 = arith.constant 5 : i32
    %eq3A_42 = vector.broadcast %eq3A_41 : i32 to vector<128x128xi32>
    %eq3A_43 = arith.cmpi eq, %get3A_26, %eq3A_42 : vector<128x128xi32>
    %get3A_44 = arith.constant 0 : index
    %get3A_45 = arith.constant 0 : index
    %get3A_46 = vector.load %arg4[%get3A_44, %get3A_45] : memref<128x128xf32, #tpu.memory_space<vmem>>, vector<128x128xf32>
    %sub3A_47 = arith.subf %get3A_23, %get3A_46 : vector<128x128xf32>
    %mul3A_48 = arith.mulf %get3A_20, %sub3A_47 : vector<128x128xf32>
    %neg3A_49 = arith.constant 0.000000e+00 : f32
    %neg3A_50 = vector.broadcast %neg3A_49 : f32 to vector<128x128xf32>
    %neg3A_51 = arith.subf %neg3A_50, %mul3A_48 : vector<128x128xf32>
    %exp3A_52 = math.exp %neg3A_51 : vector<128x128xf32>
    %add3A_53 = arith.constant 1.000000e+00 : f32
    %add3A_54 = vector.broadcast %add3A_53 : f32 to vector<128x128xf32>
    %add3A_55 = arith.addf %add3A_54, %exp3A_52 : vector<128x128xf32>
    %div3A_56 = arith.constant 1.000000e+00 : f32
    %div3A_57 = vector.broadcast %div3A_56 : f32 to vector<128x128xf32>
    %div3A_58 = arith.divf %div3A_57, %add3A_55 : vector<128x128xf32>
    %jit3A_59 = arith.constant 0.000000e+00 : f32
    %broadcast_in_dim3A_60 = vector.broadcast %jit3A_59 : f32 to vector<128x128xf32>
    %select_n3A_61 = arith.select %eq3A_43, %broadcast_in_dim3A_60, %div3A_58 : vector<128x128xi1>, vector<128x128xf32>
    %sub3A_62 = arith.subf %select_n3A, %select_n3A_61 : vector<128x128xf32>
    %add3A_63 = arith.constant 1.000000e-10 : f32
    %add3A_64 = vector.broadcast %add3A_63 : f32 to vector<128x128xf32>
    %add3A_65 = arith.addf %sub3A_62, %add3A_64 : vector<128x128xf32>
    %log3A = math.log %add3A_65 : vector<128x128xf32>
    %reduce_sum3A_66 = vector.shape_cast %log3A : vector<128x128xf32> to vector<1x128x128xf32>
    %reduce_sum3A_67 = arith.constant dense<0.000000e+00> : vector<1xf32>
    %reduce_sum3A_68 = vector.multi_reduction <add>, %reduce_sum3A_66, %reduce_sum3A_67 [1, 2] : vector<1x128x128xf32> to vector<1xf32>
    %reduce_sum3A_69 = vector.shape_cast %reduce_sum3A_68 : vector<1xf32> to vector<1x1x1xf32>
    %reduce_sum3A_70 = vector.extract %reduce_sum3A_69[0, 0, 0] : f32 from vector<1x1x1xf32>
    %mul3A_71 = arith.constant 1.638400e-02 : f32
    %mul3A_72 = arith.mulf %sub3A_17, %mul3A_71 : f32
    %add3A_73 = arith.addf %reduce_sum3A_70, %mul3A_72 : f32
    %neg3A_74 = arith.constant 0.000000e+00 : f32
    %neg3A_75 = arith.subf %neg3A_74, %add3A_73 : f32
    %swap3A = arith.constant 0 : index
    %swap3A_76 = arith.constant 0 : index
    %swap3A_77 = memref.load %arg7[%swap3A, %swap3A_76] : memref<1x1xf32, #tpu.memory_space<smem>>
    memref.store %neg3A_75, %arg7[%swap3A, %swap3A_76] : memref<1x1xf32, #tpu.memory_space<smem>>
    return
  }
}

</mosaic_0001>

<sc_bundles>
// kernel: kernel.5.cloned.1.call-start
scs
__scs_entry_jumppad:
0x0: {  	(pc) =	sbr.rel $0x88, $3  }
0x1: {  	(tag) =	ssettag $0x0;
	lr =	simm.s32 $0x1  }
0x2: {  	[smem:$0x3F9C] =	sst lr;
	_ =	strace $0xD0000000  }
0x3: {  	_ = 	snop  }
0x4: {  	_ = 	snop  }
0x5: {  	_ = 	snop  }
0x6: {  	_ = 	snop  }
0x7: {  	_ = 	snop  }
__scs_overlays_trampoline_lowered:
0x8: {  	[smem:$0x3FAB] =	sst s0  }
0x9: {  	[smem:$0x3FAC] =	sst s1  }
0xa: {  	[smem:$0x3FAD] =	sst s2  }
0xb: {  	[smem:$0x3FAE] =	sst s3  }
0xc: {  	[smem:$0x3FAF] =	sst s4  }
0xd: {  	[smem:$0x3FB0] =	sst s5  }
0xe: {  	[smem:$0x3FB1] =	sst s6  }
0xf: {  	[smem:$0x3FB2] =	sst s7  }
0x10: {  	[smem:$0x3FB3] =	sst s8  }
0x11: {  	[smem:$0x3FB4] =	sst s9;
	s0 =	simm.s32 @!p0 $0x0  }
0x12: {  	s1 =	sld [smem:$0x3F9A];
	s0 =	simm.s32 @p0 $0x1  }
0x13: {  	[smem:$0x3FB5] =	sst s0;
	s0 =	simm.s32 @!p1 $0x0  }
0x14: {  	s2 =	sld [smem:$0x3F99];
	s0 =	simm.s32 @p1 $0x1  }
0x15: {  	[smem:$0x3FB6] =	sst s0;
	s0 =	simm.s32 @!p2 $0x0  }
0x16: {  	s3 =	sld [smem:$0x3FDB];
	s0 =	simm.s32 @p2 $0x1  }
0x17: {  	s4 =	simm.s32 $0x1BF5;
	[smem:$0x3FB8] =	sst s0  }
0x18: {  	s0 =	sld [smem:$0x3F9B];
	_ =	swait.ge [sflag:s4], $0x0  }
0x19: {  	s7 =	sld [smem:$0x3F9C]  }
0x1a: {  	s8 =	sadd.s32 $0xFFFFE003, lr  }
0x1b: {  	s9 =	sadd.s32 $0xFFFFFEF7, lr;
	s5 =	simm.s32 $0xFFFFFFFF;
	p2 =	slt.u32 s8, $0xFFFFF086  }
0x1c: {  	p1 =	slt.u32 s9, $0xF7A;
	s5 =	simm.s32 @!p2 $0x0  }
0x1d: {  	s5 =	simm.s32 @p1 $0x1;
	p0 =	seq.s32 s7, s2  }
0x1e: {  	s7 =	smul.u32 @!p0 $0xF7A, s2;
	p2 =	seq.s32 @!p0 s5, $0x0  }
0x1f: {  	s9 =	smul.u32 $0xF7A, s1;
	s8 =	simm.s32 @!p0 $0x1BF5;
	p2 =	por !p2, p0  }
0x20: {  	[sflag:s8] =	ssyncset.s32 @!p0 $0xFFFFF086;
	s6 =	sadd.s32 @!p0 s3, s7;
	s7 =	simm.s32 @!p0 $0x108  }
0x21: {  	s3 =	sadd.s32 s3, s9;
	s6 =	sadd.s32 @!p0 $0x88, s6;
	s7 =	simm.s32 @p2 $0x1082  }
0x22: {  	[simem:s7], [sflag:s8] =	dma.local @!p0 [hbm:s6], $0xF7A  }
0x23: {  	s9 =	sor.u32 $0xD0000000, s2;
	s6 =	simm.s32 $0x108;
	_ =	swait.ge @!p0 [sflag:s8], $0x0  }
0x24: {  	s3 =	sadd.s32 $0x88, s3;
	s6 =	simm.s32 @!p1 $0x1082;
	[sflag:s4] =	ssyncset.s32 $0xFFFFF086  }
0x25: {  	[simem:s6], [sflag:s4] =	dma.local [hbm:s3], $0xF7A  }
0x26: {  	[smem:$0x3F9C] =	sst s1;
	(tag) =	ssettag s2;
	_ =	strace s9  }
0x27: {  	s1 =	sld [smem:$0x3FAC]  }
0x28: {  	s2 =	sld [smem:$0x3FAD]  }
0x29: {  	s4 =	sld [smem:$0x3FAF]  }
0x2a: {  	p0 =	seq.s32 s5, $0x0;
	s5 =	sld [smem:$0x3FB0]  }
0x2b: {  	s6 =	sld [smem:$0x3FB1]  }
0x2c: {  	s7 =	sld [smem:$0x3FB2]  }
0x2d: {  	s3 =	simm.s32 $0x108;
	s8 =	sld [smem:$0x3FB3]  }
0x2e: {  	s3 =	simm.s32 @!p0 $0x1082;
	s9 =	sld [smem:$0x3FB4]  }
0x2f: {  	lr =	sadd.s32 s0, s3;
	s0 =	sld [smem:$0x3FAB]  }
0x30: {  	s3 =	sld [smem:$0x3FAE]  }
0x31: {  	[smem:$0x3FB7] =	sst s10  }
0x32: {  	s10 =	sld [smem:$0x3FB5];
	_ =	sdelay $0x3  }
0x33: {  	p0 =	seq.s32 s10, $0x1;
	s10 =	sld [smem:$0x3FB7];
	_ =	sdelay $0x3  }
0x34: {  	[smem:$0x3FB7] =	sst s10  }
0x35: {  	s10 =	sld [smem:$0x3FB6];
	_ =	sdelay $0x3  }
0x36: {  	p1 =	seq.s32 s10, $0x1;
	s10 =	sld [smem:$0x3FB7];
	_ =	sdelay $0x3  }
0x37: {  	[smem:$0x3FB7] =	sst s10  }
0x38: {  	s10 =	sld [smem:$0x3FB8]  }
0x39: {  	_ = 	snop;
	(pc) =	sbr.ind lr, $3  }
0x3a: {  	_ = 	snop  }
0x3b: {  	_ = 	snop  }
0x3c: {  	p2 =	seq.s32 s10, $0x1;
	s10 =	sld [smem:$0x3FB7]  }
0x3d: {  	_ =	shalt  }
0x3e: {  	_ =	shalt  }
0x3f: {  	_ =	shalt  }
0x40: {  	_ =	shalt  }
0x41: {  	_ =	shalt  }
0x42: {  	_ =	shalt  }
0x43: {  	_ =	shalt  }
0x44: {  	_ =	shalt  }
0x45: {  	_ =	shalt  }
0x46: {  	_ =	shalt  }
0x47: {  	_ =	shalt  }
0x48: {  	_ =	shalt  }
0x49: {  	_ =	shalt  }
0x4a: {  	_ =	shalt  }
0x4b: {  	_ =	shalt  }
0x4c: {  	_ =	shalt  }
0x4d: {  	_ =	shalt  }
0x4e: {  	_ =	shalt  }
0x4f: {  	_ =	shalt  }
0x50: {  	_ =	shalt  }
0x51: {  	_ =	shalt  }
0x52: {  	_ =	shalt  }
0x53: {  	_ =	shalt  }
0x54: {  	_ =	shalt  }
0x55: {  	_ =	shalt  }
0x56: {  	_ =	shalt  }
0x57: {  	_ =	shalt  }
0x58: {  	_ =	shalt  }
0x59: {  	_ =	shalt  }
0x5a: {  	_ =	shalt  }
0x5b: {  	_ =	shalt  }
0x5c: {  	_ =	shalt  }
0x5d: {  	_ =	shalt  }
0x5e: {  	_ =	shalt  }
0x5f: {  	_ =	shalt  }
0x60: {  	_ =	shalt  }
0x61: {  	_ =	shalt  }
0x62: {  	_ =	shalt  }
0x63: {  	_ =	shalt  }
0x64: {  	_ =	shalt  }
0x65: {  	_ =	shalt  }
0x66: {  	_ =	shalt  }
0x67: {  	_ =	shalt  }
0x68: {  	_ =	shalt  }
0x69: {  	_ =	shalt  }
0x6a: {  	_ =	shalt  }
0x6b: {  	_ =	shalt  }
0x6c: {  	_ =	shalt  }
0x6d: {  	_ =	shalt  }
0x6e: {  	_ =	shalt  }
0x6f: {  	_ =	shalt  }
0x70: {  	_ =	shalt  }
0x71: {  	_ =	shalt  }
0x72: {  	_ =	shalt  }
0x73: {  	_ =	shalt  }
0x74: {  	_ =	shalt  }
0x75: {  	_ =	shalt  }
0x76: {  	_ =	shalt  }
0x77: {  	_ =	shalt  }
0x78: {  	_ =	shalt  }
0x79: {  	_ =	shalt  }
0x7a: {  	_ =	shalt  }
0x7b: {  	_ =	shalt  }
0x7c: {  	_ =	shalt  }
0x7d: {  	_ =	shalt  }
0x7e: {  	_ =	shalt  }
0x7f: {  	_ =	shalt  }
0x80: {  	_ =	shalt  }
0x81: {  	_ =	shalt  }
0x82: {  	_ =	shalt  }
0x83: {  	_ =	shalt  }
0x84: {  	_ =	shalt  }
0x85: {  	_ =	shalt  }
0x86: {  	_ =	shalt  }
0x87: {  	_ =	shalt  }
.Lfunc_end0:
.L_simem_size_0:
called_computation_lowered:
.L_overlay_start_0:
0x88: {  	s2 =	sld [smem:$0x3FD9]  }
0x89: {  	s3 =	sld [smem:$0x3FFE];
	_ =	sdelay $0x1  }
0x8a: {  	s1 =	srdreg.scid  }
0x8b: {  	s0 =	sand.u32 $0x1, s1  }
0x8c: {  	s17 =	sshll.u32 s0, $0xA;
	s2 =	sadd.s32 s3, s2  }
0x8d: {  	s2 =	sadd.s32 s2, s17  }
0x8e: {  	[smem:$0x3FC3] =	sst s2  }
0x8f: {  	_ = 	snop  }
0x90: {  	s2 =	sld [smem:$0x3FC6];
	(tm) =	ssettm $0x1  }
0x91: {  	s18 =	sld [smem:$0x3FFB];
	_ =	sdelay $0x3  }
0x92: {  	_ =	strace s18  }
0x93: {  	s3 =	sld [smem:$0x3FFC];
	_ =	sdelay $0x3  }
0x94: {  	_ =	strace s3  }
0x95: {  	s3 =	sld [smem:$0x3FFD];
	_ =	sdelay $0x3  }
0x96: {  	_ =	strace s3  }
0x97: {  	_ =	strace $0x8FFFFFFF  }
0x98: {  	s19 =	sld [smem:$0x3FDB];
	_ =	sdelay $0x1  }
0x99: {  	s4 =	simm.s32 $_scs_section_size  }
0x9a: {  	s5 =	simm.s32 $_size__tile_overlayer_lowered;
	s6 =	simm.s32 $_tile_overlayer_lowered  }
0x9b: {  	s22 =	simm.s32 $0x1BFF;
	s21 =	sshll.u32 s6, $0x1;
	s3 =	sadd.s32 s4, s19  }
0x9c: {  	s7 =	simm.s32 $0x0;
	s20 =	sshll.u32 s5, $0x1;
	s5 =	sadd.s32 s21, s3  }
0x9d: {  	[timem:s7], [sflag:s22] =	dma.local [hbm:s5], s20  }
0x9e: {  	_ =	swait.ge [sflag:s22], s20  }
0x9f: {  	s4 =	ssub.s32 $0x0, s20;
	[sflag:s22] =	ssyncset.done $0x0  }
0xa0: {  	[sflag:s22] =	ssyncadd.s32 s4;
	_ =	sdelay $0x1  }
0xa1: {  	s23 =	simm.s32 $0x1B8B  }
0xa2: {  	_ =	swait.ge [sflag:s23], $0x1  }
0xa3: {  	[sflag:s23] =	ssyncset.done $0x0  }
0xa4: {  	s25 =	simm.s32 $0x1B8E;
	s24 =	sld [smem:$0x3FFE];
	[sflag:s23] =	ssyncadd.s32 $0xFFFFFFFF  }
0xa5: {  	s26 =	simm.s32 $execute0_lowered;
	[smem:$0x3FD2] =	sst s25  }
0xa6: {  	s5 =	sshll.u32 s26, $0x1;
	_ =	strace $0x80000046;
	[dreg:$0x1] =	wrdreg $0xFFFFFFFF  }
0xa7: {  	s28 =	simm.s32 $_size_execute0_lowered;
	s3 =	sadd.s32 s3, s5;
	[dreg:$0x0] =	wrdreg $0x0  }
0xa8: {  	s5 =	sshll.u32 s28, $0x1;
	[dreg:$0x2] =	wrdreg s3  }
0xa9: {  	[dreg:$0x3] =	wrdreg s5  }
0xaa: {  	[dreg:$0x4] =	wrdreg $0xC0  }
0xab: {  	_ =	task [dreg:s7], $0x5FFFF  }
0xac: {  	[dreg:$0x1] =	wrdreg $0xFFFFFFFF  }
0xad: {  	[dreg:$0x0] =	wrdreg $0x60  }
0xae: {  	[dreg:$0x2] =	wrdreg s24  }
0xaf: {  	[dreg:$0x3] =	wrdreg s2  }
0xb0: {  	[dreg:$0x4] =	wrdreg $0x9  }
0xb1: {  	_ =	task.clear_ibuf [dreg:s7], $0x5FFFF;
	_ =	strace $0x90000046  }
0xb2: {  	s29 =	simm.s32 $0x9;
	_ =	strace $0x80000048  }
0xb3: {  	_ =	swait.ge [sflag:s29], $0x1  }
0xb4: {  	[sflag:s29] =	ssyncadd.s32 $0xFFFFFFFF  }
0xb5: {  	_ =	strace $0x90000048  }
0xb6: {  	_ =	sfence  }
0xb7: {  	s30 =	sld [smem:$0x0];
	_ =	sdelay $0x2  }
0xb8: {  	s31 =	sshll.u32 s1, $0xD;
	s1 =	sshrl.u32 s1, $0x2  }
0xb9: {  	s3 =	sand.u32 $0x4000, s31;
	s1 =	sadd.s32 s1, s30  }
0xba: {  	s0 =	sor.u32 s3, s0;
	s1 =	sshll.u32 s1, $0x11  }
0xbb: {  	s0 =	sor.u32 s1, s0  }
0xbc: {  	s0 =	sadd.s32 $0x8F2B, s0  }
0xbd: {  	[sflag:s0] =	ssyncadd.remote.s32 $0x1  }
0xbe: {  	_ =	sfence.sel $0xFFFF  }
0xbf: {  	[dreg:$0x0] =	wrdreg $0xFFFFFFFF;
	(pc) =	sbr.abs _section_cstart, $3  }
0xc0: {  	[dreg:$0x1] =	wrdreg $0xFFFFFFFF  }
0xc1: {  	_ =	task.clear_ibuf [dreg:s7], $0x2FFFF;
	_ =	strace $0x9FFFFFFF  }
0xc2: {  	(tm) =	ssettm $0x7FFFFFFF  }
0xc3: {  	_ =	shalt  }
tec
execute0_lowered:
.L_overlay_start_1:
0x0: {  	(tag) =	ssettag $0x1  }
0x1: {  	s0 =	rddreg [dreg:$0x0]  }
0x2: {  	s2 =	rddreg [dreg:$0x1]  }
0x3: {  	s1 =	srdreg.scid;
	s4 =	stileid.u32;
	s3 =	simm.s32 $0x0  }
0x4: {  	s13 =	simm.s32 $0x1400;
	s14 =	simm.s32 $0x2;
	s15 =	simm.s32 $0x1600  }
0x5: {  	s16 =	simm.s32 $0x1800;
	s17 =	simm.s32 $0x80;
	s18 =	simm.s32 $0x2000  }
0x6: {  	s19 =	simm.s32 $0x1680;
	s20 =	simm.s32 $0x2080;
	s21 =	simm.s32 $0x1700  }
0x7: {  	s22 =	simm.s32 $0x2100;
	s23 =	simm.s32 $0x1780;
	s24 =	simm.s32 $0x2180  }
0x8: {  	s25 =	simm.s32 $0x1;
	s28 =	simm.s32 $0x1C00;
	s29 =	simm.s32 $0x1E00  }
0x9: {  	s30 =	simm.s32 $0x0;
	s1 =	sand.u32 $0x1, s1;
	s4 =	sshll.u32 s4, $0x7  }
0xa: {  	[smem:$0x7FF] =	sst s3;
	s5 =	sshll.u32 s1, $0x6;
	s1 =	ssub.s32 $0x2, s1  }
0xb: {  	_ =	strace $0x80000047;
	s4 =	sor.u32 s5, s4;
	s26 =	sshrl.u32 s1, $0x1  }
0xc: {  	s11 =	sadd.s32 s4, s0;
	s4 =	sadd.s32 $0x2000, s0;
	s31 =	ssub.s32 s1, s26  }
0xd: {  	s26 =	simm.s32 $0x1A00;
	s5 =	sadd.s32 $0x2C00, s11;
	s6 =	sadd.s32 $0x2400, s11  }
0xe: {  	s7 =	sadd.s32 $0x3400, s11;
	s8 =	sadd.s32 $0x3C00, s11;
	s9 =	sadd.s32 $0x4400, s11  }
0xf: {  	s10 =	sadd.s32 $0x4C00, s11;
	s11 =	sadd.s32 $0x5400, s11;
	s12 =	smax.u32 s31, $0x1  }
.LBB2_1:
0x10: {  	[tilespmem:s13], [sflag:$0x2] =	stream.linear.gather [hbm4b:s5+s3], $0x200, $0x38;
	[tilespmem:$0x2200] =	vst v63  }
0x11: {  	_ =	swait.ge [sflag:s14], $0x200  }
0x12: {  	[sflag:s14] =	ssyncset.done $0x0  }
0x13: {  	[sflag:s14] =	ssyncadd.s32 $0xFFFFFE00  }
0x14: {  	[tilespmem:s15], [sflag:$0x2] =	stream.linear.gather [hbm4b:s6+s3], $0x200, $0x38;
	[tilespmem:$0x2200] =	vst v63  }
0x15: {  	_ =	swait.ge [sflag:s14], $0x200  }
0x16: {  	[sflag:s14] =	ssyncset.done $0x0  }
0x17: {  	[sflag:s14] =	ssyncadd.s32 $0xFFFFFE00  }
0x18: {  	[tilespmem:s16], [sflag:$0x2] =	stream.linear.gather [hbm4b:s7+s3], $0x200, $0x38;
	[tilespmem:$0x2200] =	vst v63  }
0x19: {  	_ =	swait.ge [sflag:s14], $0x200  }
0x1a: {  	[sflag:s14] =	ssyncset.done $0x0  }
0x1b: {  	[sflag:s14] =	ssyncadd.s32 $0xFFFFFE00  }
0x1c: {  	[tilespmem:s18], [sflag:$0x1] =	stream.indirect.gather [hbm4b:s2+s17], $0x1, s15, s17, $0xb8;
	[tilespmem:$0x2200] =	vst v63  }
0x1d: {  	_ = 	snop  }
0x1e: {  	[tilespmem:s20], [sflag:$0x1] =	stream.indirect.gather [hbm4b:s2+s17], $0x1, s19, s17, $0xb8;
	[tilespmem:$0x2200] =	vst v63  }
0x1f: {  	_ = 	snop  }
0x20: {  	[tilespmem:s22], [sflag:$0x1] =	stream.indirect.gather [hbm4b:s2+s17], $0x1, s21, s17, $0xb8;
	[tilespmem:$0x2200] =	vst v63  }
0x21: {  	_ = 	snop  }
0x22: {  	[tilespmem:s24], [sflag:$0x1] =	stream.indirect.gather [hbm4b:s2+s17], $0x1, s23, s17, $0xb8;
	[tilespmem:$0x2200] =	vst v63  }
0x23: {  	_ = 	snop  }
0x24: {  	[tilespmem:s3], [sflag:$0x2] =	stream.linear.gather [hbm4b:s4+s3], $0x1400, $0x38;
	[tilespmem:$0x2200] =	vst v63  }
0x25: {  	_ =	swait.ge [sflag:s14], $0x1400  }
0x26: {  	[sflag:s14] =	ssyncset.done $0x0  }
0x27: {  	s31 =	simm.s32 $0x0;
	[sflag:s14] =	ssyncadd.s32 $0xFFFFEC00  }
0x28: {  	v0 =	vld [tilespmem:s31+$0x1800];
	_ =	sdelay $0x1  }
0x29: {  	v1 =	vld [tilespmem:s31+$0x1400];
	_ =	sdelay $0x2  }
0x2a: {  	v2 =	vadd.s32 $0xFFFFFFFE, v0  }
0x2b: {  	vm0 =	vgt.s32 v2, $0x0  }
0x2c: {  	v3 =	vand.u32 $0xFFFFFF80, v1;
	v2 =	vnsel vm0, $0x0, v2  }
0x2d: {  	v3 =	vadd.s32 $0x400, v3;
	v2 =	vshll.u32 v2, $0xA  }
0x2e: {  	v4 =	vand.u32 $0x78, v1;
	v2 =	vadd.s32 v3, v2  }
0x2f: {  	v5 =	vld.idx.msk [tilespmem:v1+s3+$0x0], $0xffff;
	v1 =	vand.u32 $0x7, v1;
	v2 =	vor.u32 v4, v2  }
0x30: {  	v0 =	vadd.s32 $0xFFFFFFFF, v0;
	v2 =	vor.u32 v1, v2  }
0x31: {  	vm15 =	vlt.s32 v0, $0x3  }
0x32: {  	v0 =	vnsel vm15, $0x3, v0  }
0x33: {  	v0 =	vshll.u32 v0, $0xA  }
0x34: {  	v0 =	vadd.s32 v0, v3;
	[tilespmem:s31+$0x1A00] =	vst v5  }
0x35: {  	v3 =	vor.u32 v4, v0;
	v0 =	vld.idx.msk [tilespmem:v2+s3+$0x0], $0xffff  }
0x36: {  	v1 =	vor.u32 v1, v3;
	_ =	sdelay $0x1  }
0x37: {  	s0 =	simm.s32 $0x10;
	s1 =	simm.s32 $0x80  }
.LBB2_2:
0x38: {  	p0 =	sne.s32 s1, $0x7C0;
	v2 =	vld [tilespmem:s0+$0x1800]  }
0x39: {  	v3 =	vld [tilespmem:s0+$0x1400];
	[tilespmem:s31+$0x1C00] =	vst v0  }
0x3a: {  	v0 =	vld.idx.msk [tilespmem:v1+s3+$0x0], $0xffff;
	_ =	sdelay $0x2  }
0x3b: {  	v1 =	vadd.s32 $0xFFFFFFFE, v2  }
0x3c: {  	vm0 =	vgt.s32 v1, $0x0  }
0x3d: {  	v4 =	vand.u32 $0xFFFFFF80, v3;
	v1 =	vnsel vm0, $0x0, v1  }
0x3e: {  	v4 =	vadd.s32 $0x400, v4;
	v1 =	vshll.u32 v1, $0xA;
	[tilespmem:s31+$0x1E00] =	vst v0;
	s31 =	smov.u32 s0  }
0x3f: {  	v5 =	vand.u32 $0x78, v3;
	v0 =	vld.idx.msk [tilespmem:v3+s3+$0x0], $0xffff;
	v1 =	vadd.s32 v4, v1  }
0x40: {  	v3 =	vand.u32 $0x7, v3;
	v1 =	vor.u32 v5, v1  }
0x41: {  	v1 =	vor.u32 v3, v1  }
0x42: {  	v2 =	vadd.s32 $0xFFFFFFFF, v2  }
0x43: {  	vm0 =	vlt.s32 v2, $0x3  }
0x44: {  	v2 =	vnsel vm0, $0x3, v2  }
0x45: {  	v2 =	vshll.u32 v2, $0xA;
	[tilespmem:s31+$0x1A00] =	vst v0  }
.Ltmp0:
0x46: {  	v0 =	vld.idx.msk [tilespmem:v1+s3+$0x0], $0xffff;
	v1 =	vadd.s32 v2, v4;
	(pc) =	sbr.rel @p0 .LBB2_2-.Ltmp0, $3  }
0x47: {  	v1 =	vor.u32 v5, v1  }
0x48: {  	v1 =	vor.u32 v3, v1;
	_ =	sdelay $0x1  }
0x49: {  	s0 =	sshra.s32 s1, $0x2;
	s1 =	sadd.s32 $0x40, s1  }
0x4a: {  	v2 =	vld [tilespmem:s0+$0x1800];
	_ =	sdelay $0x1  }
0x4b: {  	v3 =	vld [tilespmem:s0+$0x1400]  }
0x4c: {  	[tilespmem:s31+$0x1C00] =	vst v0  }
0x4d: {  	v0 =	vld.idx.msk [tilespmem:v1+s3+$0x0], $0xffff  }
0x4e: {  	v62 =	vadd.s32 $0xFFFFFFFE, v2  }
0x4f: {  	vm0 =	vgt.s32 v62, $0x0  }
0x50: {  	v4 =	vand.u32 $0xFFFFFF80, v3;
	v1 =	vnsel vm0, $0x0, v62  }
0x51: {  	v4 =	vadd.s32 $0x400, v4;
	v1 =	vshll.u32 v1, $0xA  }
0x52: {  	v63 =	vand.u32 $0x78, v3;
	[tilespmem:s31+$0x1E00] =	vst v0;
	v1 =	vadd.s32 v4, v1  }
0x53: {  	v5 =	vld.idx.msk [tilespmem:v3+s3+$0x0], $0xffff;
	v3 =	vand.u32 $0x7, v3;
	v1 =	vor.u32 v63, v1  }
0x54: {  	v2 =	vadd.s32 $0xFFFFFFFF, v2;
	v1 =	vor.u32 v3, v1  }
0x55: {  	vm15 =	vlt.s32 v2, $0x3  }
0x56: {  	v2 =	vnsel vm15, $0x3, v2  }
0x57: {  	v2 =	vshll.u32 v2, $0xA  }
0x58: {  	v2 =	vadd.s32 v2, v4;
	[tilespmem:s0+$0x1A00] =	vst v5  }
0x59: {  	v0 =	vor.u32 v63, v2;
	v1 =	vld.idx.msk [tilespmem:v1+s3+$0x0], $0xffff  }
0x5a: {  	v0 =	vor.u32 v3, v0;
	_ =	sdelay $0x3  }
0x5b: {  	[tilespmem:s0+$0x1C00] =	vst v1  }
0x5c: {  	v0 =	vld.idx.msk [tilespmem:v0+s3+$0x0], $0xffff;
	_ =	sdelay $0x4  }
0x5d: {  	[tilespmem:s0+$0x1E00] =	vst v0  }
0x5e: {  	_ =	swait.ge [sflag:s25], $0x80  }
0x5f: {  	[sflag:s25] =	ssyncset.done $0x0  }
0x60: {  	[sflag:s25] =	ssyncadd.s32 $0xFFFFFF80  }
0x61: {  	_ =	swait.ge [sflag:s25], $0x80  }
0x62: {  	[sflag:s25] =	ssyncset.done $0x0  }
0x63: {  	[sflag:s25] =	ssyncadd.s32 $0xFFFFFF80  }
0x64: {  	_ =	swait.ge [sflag:s25], $0x80  }
0x65: {  	[sflag:s25] =	ssyncset.done $0x0  }
0x66: {  	[sflag:s25] =	ssyncadd.s32 $0xFFFFFF80  }
0x67: {  	_ =	swait.ge [sflag:s25], $0x80  }
0x68: {  	[sflag:s25] =	ssyncset.done $0x0  }
0x69: {  	[sflag:s25] =	ssyncadd.s32 $0xFFFFFF80  }
0x6a: {  	[hbm4b:s8+s3] =	stream.linear.scatter [tilespmem:s26], [sflag:$0x2], $0x200, $0x38;
	[tilespmem:$0x2200] =	vst v63  }
0x6b: {  	_ =	swait.ge [sflag:s14], $0x200  }
0x6c: {  	[sflag:s14] =	ssyncset.done $0x0  }
0x6d: {  	[sflag:s14] =	ssyncadd.s32 $0xFFFFFE00  }
0x6e: {  	[hbm4b:s9+s3] =	stream.linear.scatter [tilespmem:s28], [sflag:$0x2], $0x200, $0x38;
	[tilespmem:$0x2200] =	vst v63  }
0x6f: {  	_ =	swait.ge [sflag:s14], $0x200  }
0x70: {  	[sflag:s14] =	ssyncset.done $0x0  }
0x71: {  	[sflag:s14] =	ssyncadd.s32 $0xFFFFFE00  }
0x72: {  	[hbm4b:s10+s3] =	stream.linear.scatter [tilespmem:s29], [sflag:$0x2], $0x200, $0x38;
	[tilespmem:$0x2200] =	vst v63  }
0x73: {  	s30 =	sadd.s32 $0x1, s30;
	_ =	swait.ge [sflag:s14], $0x200  }
0x74: {  	p0 =	sne.s32 s30, s12;
	[sflag:s14] =	ssyncset.done $0x0  }
.Ltmp1:
0x75: {  	[sflag:s14] =	ssyncadd.s32 $0xFFFFFE00;
	(pc) =	sbr.rel @p0 .LBB2_1-.Ltmp1, $4  }
0x76: {  	[hbm4b:s11+s3] =	stream.linear.scatter [tilespmem:s18], [sflag:$0x2], $0x200, $0x38;
	[tilespmem:$0x2200] =	vst v63  }
0x77: {  	_ =	swait.ge [sflag:s14], $0x200  }
0x78: {  	[sflag:s14] =	ssyncset.done $0x0  }
0x79: {  	[sflag:s14] =	ssyncadd.s32 $0xFFFFFE00  }
0x7a: {  	_ =	sfence.sel $0x180000  }
0x7b: {  	[bflag:$0x0] =	sbarrier.arrive $0xFFFF  }
0x7c: {  	_ =	strace $0x90000047  }
0x7d: {  	s0 =	stileid.u32;
	[bflag:$0x2] =	sbarrier.arrive $0xFFFF  }
0x7e: {  	p0 =	sne.s32 s0, $0x0;
	s0 =	rddreg [dreg:$0x2]  }
0x7f: {  	s0 =	sadd.s32 @!p0 $0x100000, s0  }
0x80: {  	[sflag:s0] =	ssyncadd.tile.s32 @!p0 $0x1;
	_ =	shalt  }
.Lfunc_end2:
_tile_overlayer_lowered:
.L_overlay_start_2:
0x81: {  	(tag) =	ssettag $0x2  }
0x82: {  	s0 =	rddreg [dreg:$0x0];
	s2 =	stileid.u32  }
0x83: {  	s1 =	rddreg [dreg:$0x1];
	p0 =	sne.s32 s2, $0x0  }
0x84: {  	s3 =	rddreg [dreg:$0x2];
	[bflag:$0x3] =	sbarrier.arrive $0xFFFF;
	s2 =	simm.s32 @!p0 $0x1C02  }
0x85: {  	[timem:s3], [sflag:s2] =	dma.local @!p0 [hbm:s0], s1  }
0x86: {  	s0 =	simm.s32 @!p0 $0x2  }
0x87: {  	_ =	swait.ge @!p0 [sflag:s0], s1  }
0x88: {  	s1 =	ssub.s32 @!p0 $0x0, s1;
	[sflag:s0] =	ssyncset.done @!p0 $0x0  }
0x89: {  	[sflag:s0] =	ssyncadd.s32 @!p0 s1  }
0x8a: {  	[bflag:$0x3] =	sbarrier.arrive $0xFFFF  }
0x8b: {  	_ =	shalt  }

</sc_bundles>
